<compile_context>
chip_gen: v7x
topology: tpu7x:2x2x1
jax: 0.10.2.dev20260603
libtpu: 0.0.44.dev20260713+nightly
codegen_flags: <defaults>
</compile_context>

<pallas_src>
import functools

import jax
import jax.numpy as jnp
from jax import lax
from jax.experimental import pallas as pl
from jax.experimental.pallas import tpu as pltpu
from jax.experimental.pallas import tpu_sc as plsc

_N = 8192
_DIM = 32
_ROWS = 8192
_BLK = 2048
_K = 2048
_BETA = 0.25


def _bf16_rne(x):
    return x.astype(jnp.bfloat16).astype(jnp.float32)


def _argmin_body(z_ref, wt_ref, z2_ref, idx_ref, loss_ref):
    i = pl.program_id(0)
    zi = z_ref[...]
    zb = _bf16_rne(zi)
    z2 = z2_ref[...]
    colf = lax.broadcasted_iota(jnp.int32, (_BLK, _K), 1).astype(jnp.float32)
    acc_bf = None
    for c in range(_N // _K):
        wt = wt_ref[:, c * _K:(c + 1) * _K]
        w2 = jnp.sum(wt * wt, axis=0, keepdims=True)
        zw2 = jnp.dot(zb, wt + wt, preferred_element_type=jnp.float32)
        d = (z2 + w2) - zw2
        m = jnp.min(d, axis=1, keepdims=True)
        lidx_f = jnp.min(jnp.where(d == m, colf, float(_K)), axis=1, keepdims=True)
        lidx = lidx_f.astype(jnp.int32) + c * _K
        if acc_bf is None:
            acc_bf = _bf16_rne(m)
            acc_i = lidx
            acc_f = m
        else:
            lt = acc_bf < m
            keep = acc_bf <= m
            acc_i = jnp.where(keep, acc_i, lidx)
            acc_f = jnp.where(keep, acc_f, m)
            acc_bf = jnp.where(lt, acc_bf, _bf16_rne(m))
    idx_ref[...] = acc_i[:, 0]

    @pl.when(i == 0)
    def _():
        loss_ref[...] = jnp.zeros((1, 1), jnp.float32)

    loss_ref[...] = loss_ref[...] + jnp.sum(acc_f)

    @pl.when(i == pl.num_programs(0) - 1)
    def _():
        loss_ref[...] = loss_ref[...] * ((1.0 + _BETA) / float(_ROWS * _DIM))


_argmin = pl.pallas_call(
    _argmin_body,
    grid=(_ROWS // _BLK,),
    in_specs=[
        pl.BlockSpec((_BLK, _DIM), lambda i: (i, 0)),
        pl.BlockSpec((_DIM, _N), lambda i: (0, 0)),
        pl.BlockSpec((_BLK, 1), lambda i: (i, 0)),
    ],
    out_specs=[
        pl.BlockSpec((_BLK,), lambda i: (i,)),
        pl.BlockSpec((1, 1), lambda i: (0, 0)),
    ],
    out_shape=[
        jax.ShapeDtypeStruct((_ROWS,), jnp.int32),
        jax.ShapeDtypeStruct((1, 1), jnp.float32),
    ],
    compiler_params=pltpu.CompilerParams(dimension_semantics=("arbitrary",)),
)


def _sc_gather(table, idx2d):
    info = plsc.get_sparse_core_info()
    nc, ns = info.num_cores, info.num_subcores
    nw = nc * ns
    jcnt = idx2d.shape[0] // nw
    mesh = plsc.VectorSubcoreMesh(core_axis_name="c", subcore_axis_name="s")

    @functools.partial(
        pl.kernel,
        mesh=mesh,
        out_type=jax.ShapeDtypeStruct((_ROWS, _DIM), jnp.float32),
        scratch_types=[
            pltpu.VMEM((jcnt, 128), jnp.int32),
            pltpu.VMEM((128, _DIM), jnp.float32),
            pltpu.SemaphoreType.DMA,
        ],
        compiler_params=pltpu.CompilerParams(use_tc_tiling_on_sc=False),
    )
    def k(table_hbm, idx_hbm, out_hbm, idx_v, rows_v, sem):
        wid = lax.axis_index("s") * nc + lax.axis_index("c")
        pltpu.sync_copy(idx_hbm.at[pl.ds(wid * jcnt, jcnt)], idx_v)
        for j in range(jcnt):
            pltpu.async_copy(table_hbm.at[idx_v.at[j]], rows_v, sem).wait()
            pltpu.sync_copy(rows_v, out_hbm.at[pl.ds((wid * jcnt + j) * 128, 128)])

    return k(table, idx2d)


def kernel(z, W):
    b, l, c = z.shape
    zf = z.reshape(_ROWS, _DIM)
    z2 = jnp.sum(z ** 2, axis=2).reshape(_ROWS, 1)
    idx, loss = _argmin(zf, W.T, z2)
    z_q = _sc_gather(W, idx.reshape(-1, 128))
    return (z_q.reshape(b, l, c), idx.reshape(b, l, 1), loss[0, 0])

# --- scband reference (transcript-rebuilt; emitter-appended) ---
"""Pipeline reference for scband-vqquantizer-46488726012198 (READ-ONLY COPY).

The authoritative reference and input builder live on the scoring server;
editing this copy changes nothing except your own understanding.
"""

import jax, jax.numpy as jnp
import numpy as np

N = 8192
DIM = 32
CB = 1
BETA = 0.25
LEGACY = True

def setup_inputs(seed: int = 0) -> dict:
    key = jax.random.key(seed)
    k1, k2 = jax.random.split(key)
    z = jax.random.normal(k1, (8, 1024, 32), dtype=jnp.float32)
    W = jax.random.uniform(k2, (N, DIM), minval=-1.0 / N, maxval=1.0 / N, dtype=jnp.float32)
    return {"z": z, "W": W}

def reference(z, W):
    b, l, c = z.shape
    h = int(np.sqrt(l))
    assert h * h == l
    zr = z.reshape(b, h, h, c)
    z_flattened = zr.reshape(-1, DIM, CB)
    z_q_list = []
    idx_list = []
    for i in range(CB):
        zi = z_flattened[:, :, i]
        d = jnp.sum(zi ** 2, axis=1, keepdims=True) + jnp.sum(W ** 2, axis=1) - 2.0 * jnp.einsum('bd,dn->bn', zi, W.T)
        min_encoding_indices = jnp.argmin(d, axis=1)
        z_q_i = jnp.take(W, min_encoding_indices, axis=0)
        z_q_list.append(z_q_i[:, :, None])
        idx_list.append(min_encoding_indices[:, None])
    z_q = jnp.concatenate(z_q_list, axis=2).reshape(zr.shape)
    indices = jnp.concatenate(idx_list, axis=1).reshape(b, h, h, CB)
    sg = jax.lax.stop_gradient
    if LEGACY:
        loss = jnp.mean((sg(z_q) - zr) ** 2) + BETA * jnp.mean((z_q - sg(zr)) ** 2)
    else:
        loss = BETA * jnp.mean((sg(z_q) - zr) ** 2) + jnp.mean((z_q - sg(zr)) ** 2)
    z_q = zr + sg(z_q - zr)
    z_q = z_q.reshape(b, h * h, c)
    indices = indices.reshape(b, h * h, CB)
    return (z_q, indices, loss)

if __name__ == "__main__":
    import jax
    _d = setup_inputs()
    print(jax.jit(kernel)(*tuple(_d.values())))

</pallas_src>

<mosaic_0001>
#map = affine_map<(d0, d1) -> (0, 0)>
module attributes {stable_mosaic.version = 14 : i64} {
  func.func @k(%arg0: i32, %arg1: i32, %arg2: memref<8192x32xf32, #tpu.memory_space<hbm>>, %arg3: memref<64x128xi32, #tpu.memory_space<hbm>>, %arg4: memref<8192x32xf32, #tpu.memory_space<hbm>>, %arg5: memref<2x128xi32, #tpu.memory_space<vmem>>, %arg6: memref<128x32xf32, #tpu.memory_space<vmem>>, %arg7: memref<!tpu.dma_semaphore, #tpu.memory_space<semaphore_mem>>) attributes {dimension_semantics = [#tpu.dimension_semantics<core_parallel>, #tpu.dimension_semantics<subcore_parallel>], iteration_bounds = array<i64: 2, 16>, scalar_prefetch = 0 : i64, scratch_operands = 3 : i64, tpu.core_type = #tpu.core_type<sc_vector_subcore>, window_params = [{transform_indices = #map}, {transform_indices = #map}, {transform_indices = #map}]} {
    %mul3A = arith.constant 2 : i32
    %mul3A_0 = arith.muli %arg1, %mul3A : i32
    %add3A = arith.addi %mul3A_0, %arg0 : i32
    %mul3A_1 = arith.constant 2 : i32
    %mul3A_2 = arith.muli %add3A, %mul3A_1 : i32
    "tpu.region"() ({
      %run_scoped3A = tpu.sem_alloc : memref<!tpu.dma_semaphore, #tpu.memory_space<semaphore_mem>>
      %dma_start3A_41 = arith.constant 0 : i32
      %dma_start3A_42 = tpu.memref_slice %arg3[%mul3A_2, %dma_start3A_41] : memref<64x128xi32, #tpu.memory_space<hbm>> -> memref<2x128xi32, #tpu.memory_space<hbm>>
      %dma_start3A_43 = arith.constant 0 : i32
      %dma_start3A_44 = tpu.memref_slice %arg3[%mul3A_2, %dma_start3A_43] : memref<64x128xi32, #tpu.memory_space<hbm>> -> memref<2x128xi32, #tpu.memory_space<hbm>>
      tpu.enqueue_dma source(%dma_start3A_44 : memref<2x128xi32, #tpu.memory_space<hbm>>) target(%arg5 : memref<2x128xi32, #tpu.memory_space<vmem>>) target_semaphore(%run_scoped3A : memref<!tpu.dma_semaphore, #tpu.memory_space<semaphore_mem>>)
      %dma_wait3A_45 = arith.constant 0 : i32
      %dma_wait3A_46 = tpu.memref_slice %arg3[%mul3A_2, %dma_wait3A_45] : memref<64x128xi32, #tpu.memory_space<hbm>> -> memref<2x128xi32, #tpu.memory_space<hbm>>
      %dma_wait3A_47 = arith.constant 0 : i32
      %dma_wait3A_48 = tpu.memref_slice %arg3[%mul3A_2, %dma_wait3A_47] : memref<64x128xi32, #tpu.memory_space<hbm>> -> memref<2x128xi32, #tpu.memory_space<hbm>>
      tpu.wait_dma2 semaphore(%run_scoped3A : memref<!tpu.dma_semaphore, #tpu.memory_space<semaphore_mem>>) src(%dma_wait3A_48 : memref<2x128xi32, #tpu.memory_space<hbm>>) dst(%arg5 : memref<2x128xi32, #tpu.memory_space<vmem>>)
      tpu.yield
    }) : () -> ()
    %dma_start3A = arith.constant 0 : i32
    %dma_start3A_3 = arith.constant 0 : i32
    %dma_start3A_4 = tpu.memref_slice %arg5[%dma_start3A, %dma_start3A_3] : memref<2x128xi32, #tpu.memory_space<vmem>> -> memref<1x128xi32, #tpu.memory_space<vmem>>
    %dma_start3A_5 = tpu.memref_squeeze %dma_start3A_4 : memref<1x128xi32, #tpu.memory_space<vmem>> -> memref<128xi32, #tpu.memory_space<vmem>>
    %dma_start3A_6 = arith.constant 0 : i32
    %dma_start3A_7 = arith.constant 0 : i32
    %dma_start3A_8 = tpu.memref_slice %arg2[%dma_start3A_6, %dma_start3A_7] : memref<8192x32xf32, #tpu.memory_space<hbm>> -> memref<8192x32xf32, #tpu.memory_space<hbm>>
    tpu.enqueue_indirect_dma source(%dma_start3A_8 : memref<8192x32xf32, #tpu.memory_space<hbm>>) target(%arg6 : memref<128x32xf32, #tpu.memory_space<vmem>>) offsets(%dma_start3A_5 : memref<128xi32, #tpu.memory_space<vmem>>) semaphore(%arg7 : memref<!tpu.dma_semaphore, #tpu.memory_space<semaphore_mem>>)
    %dma_wait3A = arith.constant 0 : i32
    %dma_wait3A_9 = arith.constant 0 : i32
    %dma_wait3A_10 = tpu.memref_slice %arg5[%dma_wait3A, %dma_wait3A_9] : memref<2x128xi32, #tpu.memory_space<vmem>> -> memref<1x128xi32, #tpu.memory_space<vmem>>
    %dma_wait3A_11 = tpu.memref_squeeze %dma_wait3A_10 : memref<1x128xi32, #tpu.memory_space<vmem>> -> memref<128xi32, #tpu.memory_space<vmem>>
    %dma_wait3A_12 = arith.constant 0 : i32
    %dma_wait3A_13 = arith.constant 0 : i32
    %dma_wait3A_14 = tpu.memref_slice %arg2[%dma_wait3A_12, %dma_wait3A_13] : memref<8192x32xf32, #tpu.memory_space<hbm>> -> memref<8192x32xf32, #tpu.memory_space<hbm>>
    tpu.wait_indirect_dma semaphore(%arg7 : memref<!tpu.dma_semaphore, #tpu.memory_space<semaphore_mem>>) src(%dma_wait3A_14 : memref<8192x32xf32, #tpu.memory_space<hbm>>) dst(%arg6 : memref<128x32xf32, #tpu.memory_space<vmem>>)
    %mul3A_15 = arith.constant 2 : i32
    %mul3A_16 = arith.muli %add3A, %mul3A_15 : i32
    %add3A_17 = arith.constant 0 : i32
    %add3A_18 = arith.addi %mul3A_16, %add3A_17 : i32
    %mul3A_19 = arith.constant 128 : i32
    %mul3A_20 = arith.muli %add3A_18, %mul3A_19 : i32
    "tpu.region"() ({
      %run_scoped3A = tpu.sem_alloc : memref<!tpu.dma_semaphore, #tpu.memory_space<semaphore_mem>>
      %dma_start3A_41 = arith.constant 0 : i32
      %dma_start3A_42 = tpu.memref_slice %arg4[%mul3A_20, %dma_start3A_41] : memref<8192x32xf32, #tpu.memory_space<hbm>> -> memref<128x32xf32, #tpu.memory_space<hbm>>
      %dma_start3A_43 = arith.constant 0 : i32
      %dma_start3A_44 = tpu.memref_slice %arg4[%mul3A_20, %dma_start3A_43] : memref<8192x32xf32, #tpu.memory_space<hbm>> -> memref<128x32xf32, #tpu.memory_space<hbm>>
      tpu.enqueue_dma source(%arg6 : memref<128x32xf32, #tpu.memory_space<vmem>>) target(%dma_start3A_44 : memref<128x32xf32, #tpu.memory_space<hbm>>) target_semaphore(%run_scoped3A : memref<!tpu.dma_semaphore, #tpu.memory_space<semaphore_mem>>)
      %dma_wait3A_45 = arith.constant 0 : i32
      %dma_wait3A_46 = tpu.memref_slice %arg4[%mul3A_20, %dma_wait3A_45] : memref<8192x32xf32, #tpu.memory_space<hbm>> -> memref<128x32xf32, #tpu.memory_space<hbm>>
      %dma_wait3A_47 = arith.constant 0 : i32
      %dma_wait3A_48 = tpu.memref_slice %arg4[%mul3A_20, %dma_wait3A_47] : memref<8192x32xf32, #tpu.memory_space<hbm>> -> memref<128x32xf32, #tpu.memory_space<hbm>>
      tpu.wait_dma2 semaphore(%run_scoped3A : memref<!tpu.dma_semaphore, #tpu.memory_space<semaphore_mem>>) src(%arg6 : memref<128x32xf32, #tpu.memory_space<vmem>>) dst(%dma_wait3A_48 : memref<128x32xf32, #tpu.memory_space<hbm>>)
      tpu.yield
    }) : () -> ()
    %dma_start3A_21 = arith.constant 1 : i32
    %dma_start3A_22 = arith.constant 0 : i32
    %dma_start3A_23 = tpu.memref_slice %arg5[%dma_start3A_21, %dma_start3A_22] : memref<2x128xi32, #tpu.memory_space<vmem>> -> memref<1x128xi32, #tpu.memory_space<vmem>>
    %dma_start3A_24 = tpu.memref_squeeze %dma_start3A_23 : memref<1x128xi32, #tpu.memory_space<vmem>> -> memref<128xi32, #tpu.memory_space<vmem>>
    %dma_start3A_25 = arith.constant 0 : i32
    %dma_start3A_26 = arith.constant 0 : i32
    %dma_start3A_27 = tpu.memref_slice %arg2[%dma_start3A_25, %dma_start3A_26] : memref<8192x32xf32, #tpu.memory_space<hbm>> -> memref<8192x32xf32, #tpu.memory_space<hbm>>
    tpu.enqueue_indirect_dma source(%dma_start3A_27 : memref<8192x32xf32, #tpu.memory_space<hbm>>) target(%arg6 : memref<128x32xf32, #tpu.memory_space<vmem>>) offsets(%dma_start3A_24 : memref<128xi32, #tpu.memory_space<vmem>>) semaphore(%arg7 : memref<!tpu.dma_semaphore, #tpu.memory_space<semaphore_mem>>)
    %dma_wait3A_28 = arith.constant 1 : i32
    %dma_wait3A_29 = arith.constant 0 : i32
    %dma_wait3A_30 = tpu.memref_slice %arg5[%dma_wait3A_28, %dma_wait3A_29] : memref<2x128xi32, #tpu.memory_space<vmem>> -> memref<1x128xi32, #tpu.memory_space<vmem>>
    %dma_wait3A_31 = tpu.memref_squeeze %dma_wait3A_30 : memref<1x128xi32, #tpu.memory_space<vmem>> -> memref<128xi32, #tpu.memory_space<vmem>>
    %dma_wait3A_32 = arith.constant 0 : i32
    %dma_wait3A_33 = arith.constant 0 : i32
    %dma_wait3A_34 = tpu.memref_slice %arg2[%dma_wait3A_32, %dma_wait3A_33] : memref<8192x32xf32, #tpu.memory_space<hbm>> -> memref<8192x32xf32, #tpu.memory_space<hbm>>
    tpu.wait_indirect_dma semaphore(%arg7 : memref<!tpu.dma_semaphore, #tpu.memory_space<semaphore_mem>>) src(%dma_wait3A_34 : memref<8192x32xf32, #tpu.memory_space<hbm>>) dst(%arg6 : memref<128x32xf32, #tpu.memory_space<vmem>>)
    %mul3A_35 = arith.constant 2 : i32
    %mul3A_36 = arith.muli %add3A, %mul3A_35 : i32
    %add3A_37 = arith.constant 1 : i32
    %add3A_38 = arith.addi %mul3A_36, %add3A_37 : i32
    %mul3A_39 = arith.constant 128 : i32
    %mul3A_40 = arith.muli %add3A_38, %mul3A_39 : i32
    "tpu.region"() ({
      %run_scoped3A = tpu.sem_alloc : memref<!tpu.dma_semaphore, #tpu.memory_space<semaphore_mem>>
      %dma_start3A_41 = arith.constant 0 : i32
      %dma_start3A_42 = tpu.memref_slice %arg4[%mul3A_40, %dma_start3A_41] : memref<8192x32xf32, #tpu.memory_space<hbm>> -> memref<128x32xf32, #tpu.memory_space<hbm>>
      %dma_start3A_43 = arith.constant 0 : i32
      %dma_start3A_44 = tpu.memref_slice %arg4[%mul3A_40, %dma_start3A_43] : memref<8192x32xf32, #tpu.memory_space<hbm>> -> memref<128x32xf32, #tpu.memory_space<hbm>>
      tpu.enqueue_dma source(%arg6 : memref<128x32xf32, #tpu.memory_space<vmem>>) target(%dma_start3A_44 : memref<128x32xf32, #tpu.memory_space<hbm>>) target_semaphore(%run_scoped3A : memref<!tpu.dma_semaphore, #tpu.memory_space<semaphore_mem>>)
      %dma_wait3A_45 = arith.constant 0 : i32
      %dma_wait3A_46 = tpu.memref_slice %arg4[%mul3A_40, %dma_wait3A_45] : memref<8192x32xf32, #tpu.memory_space<hbm>> -> memref<128x32xf32, #tpu.memory_space<hbm>>
      %dma_wait3A_47 = arith.constant 0 : i32
      %dma_wait3A_48 = tpu.memref_slice %arg4[%mul3A_40, %dma_wait3A_47] : memref<8192x32xf32, #tpu.memory_space<hbm>> -> memref<128x32xf32, #tpu.memory_space<hbm>>
      tpu.wait_dma2 semaphore(%run_scoped3A : memref<!tpu.dma_semaphore, #tpu.memory_space<semaphore_mem>>) src(%arg6 : memref<128x32xf32, #tpu.memory_space<vmem>>) dst(%dma_wait3A_48 : memref<128x32xf32, #tpu.memory_space<hbm>>)
      tpu.yield
    }) : () -> ()
    return
  }
}

module attributes {stable_mosaic.version = 14 : i64} {
  func.func @_argmin_body(%arg0: i32, %arg1: memref<2048x32xf32, #tpu.memory_space<vmem>>, %arg2: memref<32x8192xf32, #tpu.memory_space<vmem>>, %arg3: memref<2048x1xf32, #tpu.memory_space<vmem>>, %arg4: memref<2048xi32, #tpu.memory_space<vmem>>, %arg5: memref<1x1xf32, #tpu.memory_space<vmem>>) attributes {dimension_semantics = [#tpu.dimension_semantics<arbitrary>], iteration_bounds = array<i64: 4>, scalar_prefetch = 0 : i64, scratch_operands = 0 : i64, tpu.core_type = #tpu.core_type<tc>, window_params = [{transform_indices = @transform_0, window_bounds = array<i64: 2048, 32>}, {pipeline_mode = #tpu.pipeline_mode<synchronous>, transform_indices = @transform_1, window_bounds = array<i64: 32, 8192>}, {transform_indices = @transform_2, window_bounds = array<i64: 2048, 1>}, {transform_indices = @transform_3, window_bounds = array<i64: 2048>}, {pipeline_mode = #tpu.pipeline_mode<synchronous>, transform_indices = @transform_4, window_bounds = array<i64: 1, 1>}]} {
    %get3A = arith.constant 0 : index
    %get3A_0 = arith.constant 0 : index
    %get3A_1 = vector.load %arg1[%get3A, %get3A_0] : memref<2048x32xf32, #tpu.memory_space<vmem>>, vector<2048x32xf32>
    %convert_element_type3A = arith.truncf %get3A_1 : vector<2048x32xf32> to vector<2048x32xbf16>
    %convert_element_type3A_2 = arith.extf %convert_element_type3A : vector<2048x32xbf16> to vector<2048x32xf32>
    %get3A_3 = arith.constant 0 : index
    %get3A_4 = arith.constant 0 : index
    %get3A_5 = vector.load %arg3[%get3A_3, %get3A_4] : memref<2048x1xf32, #tpu.memory_space<vmem>>, vector<2048x1xf32>
    %iota3A = tpu.iota {dimensions = array<i32: 1>} : vector<2048x2048xi32>
    %convert_element_type3A_6 = arith.sitofp %iota3A : vector<2048x2048xi32> to vector<2048x2048xf32>
    %get3A_7 = arith.constant 0 : index
    %get3A_8 = arith.constant 0 : index
    %get3A_9 = vector.load %arg2[%get3A_7, %get3A_8] : memref<32x8192xf32, #tpu.memory_space<vmem>>, vector<32x2048xf32>
    %mul3A = arith.mulf %get3A_9, %get3A_9 : vector<32x2048xf32>
    %reduce_sum3A = arith.constant dense<0.000000e+00> : vector<2048xf32>
    %reduce_sum3A_10 = vector.multi_reduction <add>, %mul3A, %reduce_sum3A [0] : vector<32x2048xf32> to vector<2048xf32>
    %broadcast_in_dim3A = vector.shape_cast %reduce_sum3A_10 : vector<2048xf32> to vector<1x2048xf32>
    %add3A = arith.addf %get3A_9, %get3A_9 : vector<32x2048xf32>
    %dot_general3A = arith.constant dense<0.000000e+00> : vector<2048x2048xf32>
    %dot_general3A_11 = tpu.matmul %convert_element_type3A_2, %add3A, %dot_general3A {dimension_numbers = #tpu.dot_dimension_numbers<[1], [0], [0], [1], [0, 0, 1, 1], [], []>, transpose_lhs_hint = false} : vector<2048x32xf32>, vector<32x2048xf32>, vector<2048x2048xf32> -> vector<2048x2048xf32>
    %add3A_12 = vector.broadcast %get3A_5 : vector<2048x1xf32> to vector<2048x2048xf32>
    %add3A_13 = vector.broadcast %broadcast_in_dim3A : vector<1x2048xf32> to vector<2048x2048xf32>
    %add3A_14 = arith.addf %add3A_12, %add3A_13 : vector<2048x2048xf32>
    %sub3A = arith.subf %add3A_14, %dot_general3A_11 : vector<2048x2048xf32>
    %reduce_min3A = arith.constant dense<0x7F800000> : vector<2048xf32>
    %reduce_min3A_15 = vector.multi_reduction <minimumf>, %sub3A, %reduce_min3A [1] : vector<2048x2048xf32> to vector<2048xf32>
    %broadcast_in_dim3A_16 = vector.shape_cast %reduce_min3A_15 : vector<2048xf32> to vector<2048x1xf32>
    %eq3A = vector.broadcast %broadcast_in_dim3A_16 : vector<2048x1xf32> to vector<2048x2048xf32>
    %eq3A_17 = arith.cmpf oeq, %sub3A, %eq3A : vector<2048x2048xf32>
    %jit3A = arith.constant 2.048000e+03 : f32
    %broadcast_in_dim3A_18 = vector.broadcast %jit3A : f32 to vector<2048x2048xf32>
    %select_n3A = arith.select %eq3A_17, %convert_element_type3A_6, %broadcast_in_dim3A_18 : vector<2048x2048xi1>, vector<2048x2048xf32>
    %reduce_min3A_19 = arith.constant dense<0x7F800000> : vector<2048xf32>
    %reduce_min3A_20 = vector.multi_reduction <minimumf>, %select_n3A, %reduce_min3A_19 [1] : vector<2048x2048xf32> to vector<2048xf32>
    %broadcast_in_dim3A_21 = vector.shape_cast %reduce_min3A_20 : vector<2048xf32> to vector<2048x1xf32>
    %convert_element_type3A_22 = arith.fptosi %broadcast_in_dim3A_21 : vector<2048x1xf32> to vector<2048x1xi32>
    %add3A_23 = arith.constant 0 : i32
    %add3A_24 = vector.broadcast %add3A_23 : i32 to vector<2048x1xi32>
    %add3A_25 = arith.addi %convert_element_type3A_22, %add3A_24 : vector<2048x1xi32>
    %convert_element_type3A_26 = arith.truncf %broadcast_in_dim3A_16 : vector<2048x1xf32> to vector<2048x1xbf16>
    %convert_element_type3A_27 = arith.extf %convert_element_type3A_26 : vector<2048x1xbf16> to vector<2048x1xf32>
    %get3A_28 = arith.constant 0 : index
    %get3A_29 = arith.constant 2048 : index
    %get3A_30 = vector.load %arg2[%get3A_28, %get3A_29] : memref<32x8192xf32, #tpu.memory_space<vmem>>, vector<32x2048xf32>
    %mul3A_31 = arith.mulf %get3A_30, %get3A_30 : vector<32x2048xf32>
    %reduce_sum3A_32 = arith.constant dense<0.000000e+00> : vector<2048xf32>
    %reduce_sum3A_33 = vector.multi_reduction <add>, %mul3A_31, %reduce_sum3A_32 [0] : vector<32x2048xf32> to vector<2048xf32>
    %broadcast_in_dim3A_34 = vector.shape_cast %reduce_sum3A_33 : vector<2048xf32> to vector<1x2048xf32>
    %add3A_35 = arith.addf %get3A_30, %get3A_30 : vector<32x2048xf32>
    %dot_general3A_36 = arith.constant dense<0.000000e+00> : vector<2048x2048xf32>
    %dot_general3A_37 = tpu.matmul %convert_element_type3A_2, %add3A_35, %dot_general3A_36 {dimension_numbers = #tpu.dot_dimension_numbers<[1], [0], [0], [1], [0, 0, 1, 1], [], []>, transpose_lhs_hint = false} : vector<2048x32xf32>, vector<32x2048xf32>, vector<2048x2048xf32> -> vector<2048x2048xf32>
    %add3A_38 = vector.broadcast %get3A_5 : vector<2048x1xf32> to vector<2048x2048xf32>
    %add3A_39 = vector.broadcast %broadcast_in_dim3A_34 : vector<1x2048xf32> to vector<2048x2048xf32>
    %add3A_40 = arith.addf %add3A_38, %add3A_39 : vector<2048x2048xf32>
    %sub3A_41 = arith.subf %add3A_40, %dot_general3A_37 : vector<2048x2048xf32>
    %reduce_min3A_42 = arith.constant dense<0x7F800000> : vector<2048xf32>
    %reduce_min3A_43 = vector.multi_reduction <minimumf>, %sub3A_41, %reduce_min3A_42 [1] : vector<2048x2048xf32> to vector<2048xf32>
    %broadcast_in_dim3A_44 = vector.shape_cast %reduce_min3A_43 : vector<2048xf32> to vector<2048x1xf32>
    %eq3A_45 = vector.broadcast %broadcast_in_dim3A_44 : vector<2048x1xf32> to vector<2048x2048xf32>
    %eq3A_46 = arith.cmpf oeq, %sub3A_41, %eq3A_45 : vector<2048x2048xf32>
    %jit3A_47 = arith.constant 2.048000e+03 : f32
    %broadcast_in_dim3A_48 = vector.broadcast %jit3A_47 : f32 to vector<2048x2048xf32>
    %select_n3A_49 = arith.select %eq3A_46, %convert_element_type3A_6, %broadcast_in_dim3A_48 : vector<2048x2048xi1>, vector<2048x2048xf32>
    %reduce_min3A_50 = arith.constant dense<0x7F800000> : vector<2048xf32>
    %reduce_min3A_51 = vector.multi_reduction <minimumf>, %select_n3A_49, %reduce_min3A_50 [1] : vector<2048x2048xf32> to vector<2048xf32>
    %broadcast_in_dim3A_52 = vector.shape_cast %reduce_min3A_51 : vector<2048xf32> to vector<2048x1xf32>
    %convert_element_type3A_53 = arith.fptosi %broadcast_in_dim3A_52 : vector<2048x1xf32> to vector<2048x1xi32>
    %add3A_54 = arith.constant 2048 : i32
    %add3A_55 = vector.broadcast %add3A_54 : i32 to vector<2048x1xi32>
    %add3A_56 = arith.addi %convert_element_type3A_53, %add3A_55 : vector<2048x1xi32>
    %lt3A = arith.cmpf olt, %convert_element_type3A_27, %broadcast_in_dim3A_44 : vector<2048x1xf32>
    %le3A = arith.cmpf ole, %convert_element_type3A_27, %broadcast_in_dim3A_44 : vector<2048x1xf32>
    %select_n3A_57 = arith.select %le3A, %add3A_25, %add3A_56 : vector<2048x1xi1>, vector<2048x1xi32>
    %select_n3A_58 = arith.select %le3A, %broadcast_in_dim3A_16, %broadcast_in_dim3A_44 : vector<2048x1xi1>, vector<2048x1xf32>
    %convert_element_type3A_59 = arith.truncf %broadcast_in_dim3A_44 : vector<2048x1xf32> to vector<2048x1xbf16>
    %convert_element_type3A_60 = arith.extf %convert_element_type3A_59 : vector<2048x1xbf16> to vector<2048x1xf32>
    %select_n3A_61 = arith.select %lt3A, %convert_element_type3A_27, %convert_element_type3A_60 : vector<2048x1xi1>, vector<2048x1xf32>
    %get3A_62 = arith.constant 0 : index
    %get3A_63 = arith.constant 4096 : index
    %get3A_64 = vector.load %arg2[%get3A_62, %get3A_63] : memref<32x8192xf32, #tpu.memory_space<vmem>>, vector<32x2048xf32>
    %mul3A_65 = arith.mulf %get3A_64, %get3A_64 : vector<32x2048xf32>
    %reduce_sum3A_66 = arith.constant dense<0.000000e+00> : vector<2048xf32>
    %reduce_sum3A_67 = vector.multi_reduction <add>, %mul3A_65, %reduce_sum3A_66 [0] : vector<32x2048xf32> to vector<2048xf32>
    %broadcast_in_dim3A_68 = vector.shape_cast %reduce_sum3A_67 : vector<2048xf32> to vector<1x2048xf32>
    %add3A_69 = arith.addf %get3A_64, %get3A_64 : vector<32x2048xf32>
    %dot_general3A_70 = arith.constant dense<0.000000e+00> : vector<2048x2048xf32>
    %dot_general3A_71 = tpu.matmul %convert_element_type3A_2, %add3A_69, %dot_general3A_70 {dimension_numbers = #tpu.dot_dimension_numbers<[1], [0], [0], [1], [0, 0, 1, 1], [], []>, transpose_lhs_hint = false} : vector<2048x32xf32>, vector<32x2048xf32>, vector<2048x2048xf32> -> vector<2048x2048xf32>
    %add3A_72 = vector.broadcast %get3A_5 : vector<2048x1xf32> to vector<2048x2048xf32>
    %add3A_73 = vector.broadcast %broadcast_in_dim3A_68 : vector<1x2048xf32> to vector<2048x2048xf32>
    %add3A_74 = arith.addf %add3A_72, %add3A_73 : vector<2048x2048xf32>
    %sub3A_75 = arith.subf %add3A_74, %dot_general3A_71 : vector<2048x2048xf32>
    %reduce_min3A_76 = arith.constant dense<0x7F800000> : vector<2048xf32>
    %reduce_min3A_77 = vector.multi_reduction <minimumf>, %sub3A_75, %reduce_min3A_76 [1] : vector<2048x2048xf32> to vector<2048xf32>
    %broadcast_in_dim3A_78 = vector.shape_cast %reduce_min3A_77 : vector<2048xf32> to vector<2048x1xf32>
    %eq3A_79 = vector.broadcast %broadcast_in_dim3A_78 : vector<2048x1xf32> to vector<2048x2048xf32>
    %eq3A_80 = arith.cmpf oeq, %sub3A_75, %eq3A_79 : vector<2048x2048xf32>
    %jit3A_81 = arith.constant 2.048000e+03 : f32
    %broadcast_in_dim3A_82 = vector.broadcast %jit3A_81 : f32 to vector<2048x2048xf32>
    %select_n3A_83 = arith.select %eq3A_80, %convert_element_type3A_6, %broadcast_in_dim3A_82 : vector<2048x2048xi1>, vector<2048x2048xf32>
    %reduce_min3A_84 = arith.constant dense<0x7F800000> : vector<2048xf32>
    %reduce_min3A_85 = vector.multi_reduction <minimumf>, %select_n3A_83, %reduce_min3A_84 [1] : vector<2048x2048xf32> to vector<2048xf32>
    %broadcast_in_dim3A_86 = vector.shape_cast %reduce_min3A_85 : vector<2048xf32> to vector<2048x1xf32>
    %convert_element_type3A_87 = arith.fptosi %broadcast_in_dim3A_86 : vector<2048x1xf32> to vector<2048x1xi32>
    %add3A_88 = arith.constant 4096 : i32
    %add3A_89 = vector.broadcast %add3A_88 : i32 to vector<2048x1xi32>
    %add3A_90 = arith.addi %convert_element_type3A_87, %add3A_89 : vector<2048x1xi32>
    %lt3A_91 = arith.cmpf olt, %select_n3A_61, %broadcast_in_dim3A_78 : vector<2048x1xf32>
    %le3A_92 = arith.cmpf ole, %select_n3A_61, %broadcast_in_dim3A_78 : vector<2048x1xf32>
    %select_n3A_93 = arith.select %le3A_92, %select_n3A_57, %add3A_90 : vector<2048x1xi1>, vector<2048x1xi32>
    %select_n3A_94 = arith.select %le3A_92, %select_n3A_58, %broadcast_in_dim3A_78 : vector<2048x1xi1>, vector<2048x1xf32>
    %convert_element_type3A_95 = arith.truncf %broadcast_in_dim3A_78 : vector<2048x1xf32> to vector<2048x1xbf16>
    %convert_element_type3A_96 = arith.extf %convert_element_type3A_95 : vector<2048x1xbf16> to vector<2048x1xf32>
    %select_n3A_97 = arith.select %lt3A_91, %select_n3A_61, %convert_element_type3A_96 : vector<2048x1xi1>, vector<2048x1xf32>
    %get3A_98 = arith.constant 0 : index
    %get3A_99 = arith.constant 6144 : index
    %get3A_100 = vector.load %arg2[%get3A_98, %get3A_99] : memref<32x8192xf32, #tpu.memory_space<vmem>>, vector<32x2048xf32>
    %mul3A_101 = arith.mulf %get3A_100, %get3A_100 : vector<32x2048xf32>
    %reduce_sum3A_102 = arith.constant dense<0.000000e+00> : vector<2048xf32>
    %reduce_sum3A_103 = vector.multi_reduction <add>, %mul3A_101, %reduce_sum3A_102 [0] : vector<32x2048xf32> to vector<2048xf32>
    %broadcast_in_dim3A_104 = vector.shape_cast %reduce_sum3A_103 : vector<2048xf32> to vector<1x2048xf32>
    %add3A_105 = arith.addf %get3A_100, %get3A_100 : vector<32x2048xf32>
    %dot_general3A_106 = arith.constant dense<0.000000e+00> : vector<2048x2048xf32>
    %dot_general3A_107 = tpu.matmul %convert_element_type3A_2, %add3A_105, %dot_general3A_106 {dimension_numbers = #tpu.dot_dimension_numbers<[1], [0], [0], [1], [0, 0, 1, 1], [], []>, transpose_lhs_hint = false} : vector<2048x32xf32>, vector<32x2048xf32>, vector<2048x2048xf32> -> vector<2048x2048xf32>
    %add3A_108 = vector.broadcast %get3A_5 : vector<2048x1xf32> to vector<2048x2048xf32>
    %add3A_109 = vector.broadcast %broadcast_in_dim3A_104 : vector<1x2048xf32> to vector<2048x2048xf32>
    %add3A_110 = arith.addf %add3A_108, %add3A_109 : vector<2048x2048xf32>
    %sub3A_111 = arith.subf %add3A_110, %dot_general3A_107 : vector<2048x2048xf32>
    %reduce_min3A_112 = arith.constant dense<0x7F800000> : vector<2048xf32>
    %reduce_min3A_113 = vector.multi_reduction <minimumf>, %sub3A_111, %reduce_min3A_112 [1] : vector<2048x2048xf32> to vector<2048xf32>
    %broadcast_in_dim3A_114 = vector.shape_cast %reduce_min3A_113 : vector<2048xf32> to vector<2048x1xf32>
    %eq3A_115 = vector.broadcast %broadcast_in_dim3A_114 : vector<2048x1xf32> to vector<2048x2048xf32>
    %eq3A_116 = arith.cmpf oeq, %sub3A_111, %eq3A_115 : vector<2048x2048xf32>
    %jit3A_117 = arith.constant 2.048000e+03 : f32
    %broadcast_in_dim3A_118 = vector.broadcast %jit3A_117 : f32 to vector<2048x2048xf32>
    %select_n3A_119 = arith.select %eq3A_116, %convert_element_type3A_6, %broadcast_in_dim3A_118 : vector<2048x2048xi1>, vector<2048x2048xf32>
    %reduce_min3A_120 = arith.constant dense<0x7F800000> : vector<2048xf32>
    %reduce_min3A_121 = vector.multi_reduction <minimumf>, %select_n3A_119, %reduce_min3A_120 [1] : vector<2048x2048xf32> to vector<2048xf32>
    %broadcast_in_dim3A_122 = vector.shape_cast %reduce_min3A_121 : vector<2048xf32> to vector<2048x1xf32>
    %convert_element_type3A_123 = arith.fptosi %broadcast_in_dim3A_122 : vector<2048x1xf32> to vector<2048x1xi32>
    %add3A_124 = arith.constant 6144 : i32
    %add3A_125 = vector.broadcast %add3A_124 : i32 to vector<2048x1xi32>
    %add3A_126 = arith.addi %convert_element_type3A_123, %add3A_125 : vector<2048x1xi32>
    %le3A_127 = arith.cmpf ole, %select_n3A_97, %broadcast_in_dim3A_114 : vector<2048x1xf32>
    %select_n3A_128 = arith.select %le3A_127, %select_n3A_93, %add3A_126 : vector<2048x1xi1>, vector<2048x1xi32>
    %select_n3A_129 = arith.select %le3A_127, %select_n3A_94, %broadcast_in_dim3A_114 : vector<2048x1xi1>, vector<2048x1xf32>
    %squeeze3A = vector.shape_cast %select_n3A_128 : vector<2048x1xi32> to vector<2048xi32>
    %swap3A = arith.constant 0 : index
    %swap3A_130 = vector.load %arg4[%swap3A] : memref<2048xi32, #tpu.memory_space<vmem>>, vector<2048xi32>
    tpu.vector_store %arg4[%swap3A], %squeeze3A {strides = array<i32>} : memref<2048xi32, #tpu.memory_space<vmem>>, vector<2048xi32>,
    %eq3A_131 = arith.constant 0 : i32
    %eq3A_132 = arith.cmpi eq, %arg0, %eq3A_131 : i32
    %convert_element_type3A_133 = arith.extui %eq3A_132 : i1 to i32
    %cond3A = arith.constant 0 : i32
    %cond3A_134 = arith.cmpi ne, %convert_element_type3A_133, %cond3A : i32
    scf.if %cond3A_134 {
      %broadcast_in_dim3A_153 = arith.constant 0.000000e+00 : f32
      %broadcast_in_dim3A_154 = vector.broadcast %broadcast_in_dim3A_153 : f32 to vector<1x1xf32>
      %swap3A_155 = arith.constant 0 : index
      %swap3A_156 = arith.constant 0 : index
      %swap3A_157 = vector.load %arg5[%swap3A_155, %swap3A_156] : memref<1x1xf32, #tpu.memory_space<vmem>>, vector<1x1xf32>
      tpu.vector_store %arg5[%swap3A_155, %swap3A_156], %broadcast_in_dim3A_154 {strides = array<i32>} : memref<1x1xf32, #tpu.memory_space<vmem>>, vector<1x1xf32>,
    } else {
    }
    %get3A_135 = arith.constant 0 : index
    %get3A_136 = arith.constant 0 : index
    %get3A_137 = vector.load %arg5[%get3A_135, %get3A_136] : memref<1x1xf32, #tpu.memory_space<vmem>>, vector<1x1xf32>
    %reduce_sum3A_138 = vector.shape_cast %select_n3A_129 : vector<2048x1xf32> to vector<1x2048x1xf32>
    %reduce_sum3A_139 = arith.constant dense<0.000000e+00> : vector<1xf32>
    %reduce_sum3A_140 = vector.multi_reduction <add>, %reduce_sum3A_138, %reduce_sum3A_139 [1, 2] : vector<1x2048x1xf32> to vector<1xf32>
    %reduce_sum3A_141 = vector.shape_cast %reduce_sum3A_140 : vector<1xf32> to vector<1x1x1xf32>
    %reduce_sum3A_142 = vector.extract %reduce_sum3A_141[0, 0, 0] : f32 from vector<1x1x1xf32>
    %add3A_143 = vector.broadcast %reduce_sum3A_142 : f32 to vector<1x1xf32>
    %add3A_144 = arith.addf %get3A_137, %add3A_143 : vector<1x1xf32>
    %swap3A_145 = arith.constant 0 : index
    %swap3A_146 = arith.constant 0 : index
    %swap3A_147 = vector.load %arg5[%swap3A_145, %swap3A_146] : memref<1x1xf32, #tpu.memory_space<vmem>>, vector<1x1xf32>
    tpu.vector_store %arg5[%swap3A_145, %swap3A_146], %add3A_144 {strides = array<i32>} : memref<1x1xf32, #tpu.memory_space<vmem>>, vector<1x1xf32>,
    %eq3A_148 = arith.constant 3 : i32
    %eq3A_149 = arith.cmpi eq, %arg0, %eq3A_148 : i32
    %convert_element_type3A_150 = arith.extui %eq3A_149 : i1 to i32
    %cond3A_151 = arith.constant 0 : i32
    %cond3A_152 = arith.cmpi ne, %convert_element_type3A_150, %cond3A_151 : i32
    scf.if %cond3A_152 {
      %get3A_153 = arith.constant 0 : index
      %get3A_154 = arith.constant 0 : index
      %get3A_155 = vector.load %arg5[%get3A_153, %get3A_154] : memref<1x1xf32, #tpu.memory_space<vmem>>, vector<1x1xf32>
      %mul3A_156 = arith.constant 4.76837158E-6 : f32
      %mul3A_157 = vector.broadcast %mul3A_156 : f32 to vector<1x1xf32>
      %mul3A_158 = arith.mulf %get3A_155, %mul3A_157 : vector<1x1xf32>
      %swap3A_159 = arith.constant 0 : index
      %swap3A_160 = arith.constant 0 : index
      %swap3A_161 = vector.load %arg5[%swap3A_159, %swap3A_160] : memref<1x1xf32, #tpu.memory_space<vmem>>, vector<1x1xf32>
      tpu.vector_store %arg5[%swap3A_159, %swap3A_160], %mul3A_158 {strides = array<i32>} : memref<1x1xf32, #tpu.memory_space<vmem>>, vector<1x1xf32>,
    } else {
    }
    return
  }
  func.func @transform_0(%arg0: i32) -> (i32, i32) {
    %c0_i32 = arith.constant 0 : i32
    %c0_i32_0 = arith.constant 0 : i32
    return %arg0, %c0_i32 : i32, i32
  }
  func.func @transform_1(%arg0: i32) -> (i32, i32) {
    %c0_i32 = arith.constant 0 : i32
    %c0_i32_0 = arith.constant 0 : i32
    %c0_i32_1 = arith.constant 0 : i32
    return %c0_i32, %c0_i32_0 : i32, i32
  }
  func.func @transform_2(%arg0: i32) -> (i32, i32) {
    %c0_i32 = arith.constant 0 : i32
    %c0_i32_0 = arith.constant 0 : i32
    return %arg0, %c0_i32 : i32, i32
  }
  func.func @transform_3(%arg0: i32) -> i32 {
    %c0_i32 = arith.constant 0 : i32
    return %arg0 : i32
  }
  func.func @transform_4(%arg0: i32) -> (i32, i32) {
    %c0_i32 = arith.constant 0 : i32
    %c0_i32_0 = arith.constant 0 : i32
    %c0_i32_1 = arith.constant 0 : i32
    return %c0_i32, %c0_i32_0 : i32, i32
  }
}

</mosaic_0001>

<sc_bundles>
// kernel: kernel.4.cloned.1.call-start
scs
__scs_entry_jumppad:
0x0: {  	(pc) =	sbr.rel $0x88, $3  }
0x1: {  	(tag) =	ssettag $0x0;
	lr =	simm.s32 $0x1  }
0x2: {  	[smem:$0x3F9F] =	sst lr;
	_ =	strace $0xD0000000  }
0x3: {  	_ = 	snop  }
0x4: {  	_ = 	snop  }
0x5: {  	_ = 	snop  }
0x6: {  	_ = 	snop  }
0x7: {  	_ = 	snop  }
__scs_overlays_trampoline_lowered:
0x8: {  	[smem:$0x3FAE] =	sst s0  }
0x9: {  	[smem:$0x3FAF] =	sst s1  }
0xa: {  	[smem:$0x3FB0] =	sst s2  }
0xb: {  	[smem:$0x3FB1] =	sst s3  }
0xc: {  	[smem:$0x3FB2] =	sst s4  }
0xd: {  	[smem:$0x3FB3] =	sst s5  }
0xe: {  	[smem:$0x3FB4] =	sst s6  }
0xf: {  	[smem:$0x3FB5] =	sst s7  }
0x10: {  	[smem:$0x3FB6] =	sst s8  }
0x11: {  	[smem:$0x3FB7] =	sst s9;
	s0 =	simm.s32 @!p0 $0x0  }
0x12: {  	s1 =	sld [smem:$0x3F9D];
	s0 =	simm.s32 @p0 $0x1  }
0x13: {  	[smem:$0x3FB8] =	sst s0;
	s0 =	simm.s32 @!p1 $0x0  }
0x14: {  	s2 =	sld [smem:$0x3F9C];
	s0 =	simm.s32 @p1 $0x1  }
0x15: {  	[smem:$0x3FB9] =	sst s0;
	s0 =	simm.s32 @!p2 $0x0  }
0x16: {  	s3 =	sld [smem:$0x3FDB];
	s0 =	simm.s32 @p2 $0x1  }
0x17: {  	s4 =	simm.s32 $0x1BF5;
	[smem:$0x3FBB] =	sst s0  }
0x18: {  	s0 =	sld [smem:$0x3F9E];
	_ =	swait.ge [sflag:s4], $0x0  }
0x19: {  	s7 =	sld [smem:$0x3F9F]  }
0x1a: {  	s8 =	sadd.s32 $0xFFFFE003, lr  }
0x1b: {  	s9 =	sadd.s32 $0xFFFFFEF7, lr;
	s5 =	simm.s32 $0xFFFFFFFF;
	p2 =	slt.u32 s8, $0xFFFFF086  }
0x1c: {  	p1 =	slt.u32 s9, $0xF7A;
	s5 =	simm.s32 @!p2 $0x0  }
0x1d: {  	s5 =	simm.s32 @p1 $0x1;
	p0 =	seq.s32 s7, s2  }
0x1e: {  	s7 =	smul.u32 @!p0 $0xF7A, s2;
	p2 =	seq.s32 @!p0 s5, $0x0  }
0x1f: {  	s9 =	smul.u32 $0xF7A, s1;
	s8 =	simm.s32 @!p0 $0x1BF5;
	p2 =	por !p2, p0  }
0x20: {  	[sflag:s8] =	ssyncset.s32 @!p0 $0xFFFFF086;
	s6 =	sadd.s32 @!p0 s3, s7;
	s7 =	simm.s32 @!p0 $0x108  }
0x21: {  	s3 =	sadd.s32 s3, s9;
	s6 =	sadd.s32 @!p0 $0x88, s6;
	s7 =	simm.s32 @p2 $0x1082  }
0x22: {  	[simem:s7], [sflag:s8] =	dma.local @!p0 [hbm:s6], $0xF7A  }
0x23: {  	s9 =	sor.u32 $0xD0000000, s2;
	s6 =	simm.s32 $0x108;
	_ =	swait.ge @!p0 [sflag:s8], $0x0  }
0x24: {  	s3 =	sadd.s32 $0x88, s3;
	s6 =	simm.s32 @!p1 $0x1082;
	[sflag:s4] =	ssyncset.s32 $0xFFFFF086  }
0x25: {  	[simem:s6], [sflag:s4] =	dma.local [hbm:s3], $0xF7A  }
0x26: {  	[smem:$0x3F9F] =	sst s1;
	(tag) =	ssettag s2;
	_ =	strace s9  }
0x27: {  	s1 =	sld [smem:$0x3FAF]  }
0x28: {  	s2 =	sld [smem:$0x3FB0]  }
0x29: {  	s4 =	sld [smem:$0x3FB2]  }
0x2a: {  	p0 =	seq.s32 s5, $0x0;
	s5 =	sld [smem:$0x3FB3]  }
0x2b: {  	s6 =	sld [smem:$0x3FB4]  }
0x2c: {  	s7 =	sld [smem:$0x3FB5]  }
0x2d: {  	s3 =	simm.s32 $0x108;
	s8 =	sld [smem:$0x3FB6]  }
0x2e: {  	s3 =	simm.s32 @!p0 $0x1082;
	s9 =	sld [smem:$0x3FB7]  }
0x2f: {  	lr =	sadd.s32 s0, s3;
	s0 =	sld [smem:$0x3FAE]  }
0x30: {  	s3 =	sld [smem:$0x3FB1]  }
0x31: {  	[smem:$0x3FBA] =	sst s10  }
0x32: {  	s10 =	sld [smem:$0x3FB8];
	_ =	sdelay $0x3  }
0x33: {  	p0 =	seq.s32 s10, $0x1;
	s10 =	sld [smem:$0x3FBA];
	_ =	sdelay $0x3  }
0x34: {  	[smem:$0x3FBA] =	sst s10  }
0x35: {  	s10 =	sld [smem:$0x3FB9];
	_ =	sdelay $0x3  }
0x36: {  	p1 =	seq.s32 s10, $0x1;
	s10 =	sld [smem:$0x3FBA];
	_ =	sdelay $0x3  }
0x37: {  	[smem:$0x3FBA] =	sst s10  }
0x38: {  	s10 =	sld [smem:$0x3FBB]  }
0x39: {  	_ = 	snop;
	(pc) =	sbr.ind lr, $3  }
0x3a: {  	_ = 	snop  }
0x3b: {  	_ = 	snop  }
0x3c: {  	p2 =	seq.s32 s10, $0x1;
	s10 =	sld [smem:$0x3FBA]  }
0x3d: {  	_ =	shalt  }
0x3e: {  	_ =	shalt  }
0x3f: {  	_ =	shalt  }
0x40: {  	_ =	shalt  }
0x41: {  	_ =	shalt  }
0x42: {  	_ =	shalt  }
0x43: {  	_ =	shalt  }
0x44: {  	_ =	shalt  }
0x45: {  	_ =	shalt  }
0x46: {  	_ =	shalt  }
0x47: {  	_ =	shalt  }
0x48: {  	_ =	shalt  }
0x49: {  	_ =	shalt  }
0x4a: {  	_ =	shalt  }
0x4b: {  	_ =	shalt  }
0x4c: {  	_ =	shalt  }
0x4d: {  	_ =	shalt  }
0x4e: {  	_ =	shalt  }
0x4f: {  	_ =	shalt  }
0x50: {  	_ =	shalt  }
0x51: {  	_ =	shalt  }
0x52: {  	_ =	shalt  }
0x53: {  	_ =	shalt  }
0x54: {  	_ =	shalt  }
0x55: {  	_ =	shalt  }
0x56: {  	_ =	shalt  }
0x57: {  	_ =	shalt  }
0x58: {  	_ =	shalt  }
0x59: {  	_ =	shalt  }
0x5a: {  	_ =	shalt  }
0x5b: {  	_ =	shalt  }
0x5c: {  	_ =	shalt  }
0x5d: {  	_ =	shalt  }
0x5e: {  	_ =	shalt  }
0x5f: {  	_ =	shalt  }
0x60: {  	_ =	shalt  }
0x61: {  	_ =	shalt  }
0x62: {  	_ =	shalt  }
0x63: {  	_ =	shalt  }
0x64: {  	_ =	shalt  }
0x65: {  	_ =	shalt  }
0x66: {  	_ =	shalt  }
0x67: {  	_ =	shalt  }
0x68: {  	_ =	shalt  }
0x69: {  	_ =	shalt  }
0x6a: {  	_ =	shalt  }
0x6b: {  	_ =	shalt  }
0x6c: {  	_ =	shalt  }
0x6d: {  	_ =	shalt  }
0x6e: {  	_ =	shalt  }
0x6f: {  	_ =	shalt  }
0x70: {  	_ =	shalt  }
0x71: {  	_ =	shalt  }
0x72: {  	_ =	shalt  }
0x73: {  	_ =	shalt  }
0x74: {  	_ =	shalt  }
0x75: {  	_ =	shalt  }
0x76: {  	_ =	shalt  }
0x77: {  	_ =	shalt  }
0x78: {  	_ =	shalt  }
0x79: {  	_ =	shalt  }
0x7a: {  	_ =	shalt  }
0x7b: {  	_ =	shalt  }
0x7c: {  	_ =	shalt  }
0x7d: {  	_ =	shalt  }
0x7e: {  	_ =	shalt  }
0x7f: {  	_ =	shalt  }
0x80: {  	_ =	shalt  }
0x81: {  	_ =	shalt  }
0x82: {  	_ =	shalt  }
0x83: {  	_ =	shalt  }
0x84: {  	_ =	shalt  }
0x85: {  	_ =	shalt  }
0x86: {  	_ =	shalt  }
0x87: {  	_ =	shalt  }
.Lfunc_end0:
.L_simem_size_0:
called_computation_lowered:
.L_overlay_start_0:
0x88: {  	s2 =	sld [smem:$0x3FD9]  }
0x89: {  	s3 =	sld [smem:$0x3FFE];
	_ =	sdelay $0x1  }
0x8a: {  	s1 =	srdreg.scid  }
0x8b: {  	s0 =	sand.u32 $0x1, s1  }
0x8c: {  	s14 =	sshll.u32 s0, $0xA;
	s2 =	sadd.s32 s3, s2  }
0x8d: {  	s2 =	sadd.s32 s2, s14  }
0x8e: {  	[smem:$0x3FC6] =	sst s2  }
0x8f: {  	_ = 	snop  }
0x90: {  	s2 =	sld [smem:$0x3FD0];
	_ =	sdelay $0x2  }
0x91: {  	s15 =	simm.s32 $0xA;
	s4 =	simm.s32 $0x10  }
0x92: {  	[smem:s4], [sflag:s15] =	dma.local [hbm:s2], $0x1  }
0x93: {  	_ =	swait.eq [sflag:s15], $0x1  }
0x94: {  	[sflag:s15] =	ssyncset.done $0x0  }
0x95: {  	s16 =	sld [smem:$0x10];
	[sflag:s15] =	ssyncadd.s32 $0xFFFFFFFF  }
0x96: {  	s17 =	sld [smem:$0x11];
	(tm) =	ssettm $0x1  }
0x97: {  	s18 =	sld [smem:$0x3FFB];
	_ =	sdelay $0x3  }
0x98: {  	_ =	strace s18  }
0x99: {  	s4 =	sld [smem:$0x3FFC];
	_ =	sdelay $0x3  }
0x9a: {  	_ =	strace s4  }
0x9b: {  	s4 =	sld [smem:$0x3FFD];
	_ =	sdelay $0x3  }
0x9c: {  	_ =	strace s4  }
0x9d: {  	_ =	strace $0x8FFFFFFF  }
0x9e: {  	s19 =	sld [smem:$0x3FDB];
	_ =	sdelay $0x1  }
0x9f: {  	s5 =	simm.s32 $_scs_section_size  }
0xa0: {  	s6 =	simm.s32 $_size__tile_overlayer_lowered;
	s7 =	simm.s32 $_tile_overlayer_lowered  }
0xa1: {  	s22 =	simm.s32 $0x1BFF;
	s21 =	sshll.u32 s7, $0x1;
	s4 =	sadd.s32 s5, s19  }
0xa2: {  	s8 =	simm.s32 $0x0;
	s20 =	sshll.u32 s6, $0x1;
	s6 =	sadd.s32 s21, s4  }
0xa3: {  	[timem:s8], [sflag:s22] =	dma.local [hbm:s6], s20  }
0xa4: {  	_ =	swait.ge [sflag:s22], s20  }
0xa5: {  	s5 =	ssub.s32 $0x0, s20;
	[sflag:s22] =	ssyncset.done $0x0  }
0xa6: {  	[sflag:s22] =	ssyncadd.s32 s5;
	_ =	sdelay $0x1  }
0xa7: {  	s23 =	simm.s32 $0x1B8B  }
0xa8: {  	_ =	swait.ge [sflag:s23], $0x1  }
0xa9: {  	[sflag:s23] =	ssyncset.done $0x0  }
0xaa: {  	s25 =	simm.s32 $0x1B8E;
	s24 =	sld [smem:$0x3FFE];
	[sflag:s23] =	ssyncadd.s32 $0xFFFFFFFF  }
0xab: {  	s26 =	simm.s32 $execute0_lowered;
	[smem:$0x3FD2] =	sst s25  }
0xac: {  	s6 =	sshll.u32 s26, $0x1;
	_ =	strace $0x80000046;
	[dreg:$0x1] =	wrdreg $0xFFFFFFFF  }
0xad: {  	s28 =	simm.s32 $_size_execute0_lowered;
	s4 =	sadd.s32 s4, s6;
	[dreg:$0x0] =	wrdreg $0x0  }
0xae: {  	s6 =	sshll.u32 s28, $0x1;
	[dreg:$0x2] =	wrdreg s4  }
0xaf: {  	[dreg:$0x3] =	wrdreg s6  }
0xb0: {  	[dreg:$0x4] =	wrdreg $0xC0  }
0xb1: {  	_ =	task [dreg:s8], $0x5FFFF  }
0xb2: {  	[dreg:$0x1] =	wrdreg $0xFFFFFFFF  }
0xb3: {  	[dreg:$0x0] =	wrdreg $0x60  }
0xb4: {  	[dreg:$0x2] =	wrdreg s16  }
0xb5: {  	[dreg:$0x3] =	wrdreg s17  }
0xb6: {  	[dreg:$0x4] =	wrdreg s24  }
0xb7: {  	[dreg:$0x5] =	wrdreg $0x9  }
0xb8: {  	_ =	task.clear_ibuf [dreg:s8], $0x6FFFF;
	_ =	strace $0x90000046  }
0xb9: {  	s29 =	simm.s32 $0x9;
	_ =	strace $0x80000048  }
0xba: {  	_ =	swait.ge [sflag:s29], $0x1  }
0xbb: {  	[sflag:s29] =	ssyncadd.s32 $0xFFFFFFFF  }
0xbc: {  	_ =	strace $0x90000048  }
0xbd: {  	_ =	sfence  }
0xbe: {  	s30 =	sld [smem:$0x0];
	_ =	sdelay $0x2  }
0xbf: {  	s31 =	sshll.u32 s1, $0xD;
	s1 =	sshrl.u32 s1, $0x2  }
0xc0: {  	s3 =	sand.u32 $0x4000, s31;
	s1 =	sadd.s32 s1, s30  }
0xc1: {  	s0 =	sor.u32 s3, s0;
	s1 =	sshll.u32 s1, $0x11  }
0xc2: {  	s0 =	sor.u32 s1, s0  }
0xc3: {  	s0 =	sadd.s32 $0x8F2B, s0  }
0xc4: {  	[sflag:s0] =	ssyncadd.remote.s32 $0x1  }
0xc5: {  	_ =	sfence.sel $0xFFFF  }
0xc6: {  	[dreg:$0x0] =	wrdreg $0xFFFFFFFF;
	(pc) =	sbr.abs _section_cstart, $3  }
0xc7: {  	[dreg:$0x1] =	wrdreg $0xFFFFFFFF  }
0xc8: {  	_ =	task.clear_ibuf [dreg:s8], $0x2FFFF;
	_ =	strace $0x9FFFFFFF  }
0xc9: {  	(tm) =	ssettm $0x7FFFFFFF  }
tec
execute0_lowered:
.L_overlay_start_1:
0x0: {  	(tag) =	ssettag $0x1  }
0x1: {  	s2 =	rddreg [dreg:$0x0]  }
0x2: {  	s4 =	rddreg [dreg:$0x1]  }
0x3: {  	s1 =	srdreg.scid;
	s0 =	stileid.u32  }
0x4: {  	s9 =	rddreg [dreg:$0x2];
	s10 =	sand.u32 $0x1, s1;
	s5 =	sshll.u32 s0, $0x1  }
0x5: {  	s3 =	simm.s32 $0x0;
	s1 =	rddreg [dreg:$0x3];
	s11 =	sor.u32 s10, s5  }
0x6: {  	[smem:$0x7FF] =	sst s3;
	s5 =	sshll.u32 s11, $0x5  }
0x7: {  	_ =	strace $0x80000047;
	s5 =	sadd.s32 s4, s5;
	s4 =	simm.s32 $0x2  }
0x8: {  	[tilespmem:s3], [sflag:$0x2] =	stream.linear.gather [hbm4b:s5+s3], $0x100, $0x38;
	[tilespmem:$0x1100] =	vst v63  }
0x9: {  	_ =	swait.ge [sflag:s4], $0x100  }
0xa: {  	s6 =	simm.s32 $0x80;
	[sflag:s4] =	ssyncset.done $0x0  }
0xb: {  	s7 =	simm.s32 $0x100;
	s8 =	simm.s32 $0x1;
	[sflag:s4] =	ssyncadd.s32 $0xFFFFFF00  }
0xc: {  	[tilespmem:s7], [sflag:$0x1] =	stream.indirect.gather [hbm4b:s2+s6], $0x20, s3, s6, $0xb8;
	[tilespmem:$0x1100] =	vst v63  }
0xd: {  	s11 =	sshll.u32 s11, $0xA;
	_ =	swait.ge [sflag:s8], $0x1000  }
0xe: {  	s11 =	sadd.s32 s11, s9;
	[sflag:s8] =	ssyncset.done $0x0  }
0xf: {  	s10 =	ssub.s32 $0x2, s10;
	s9 =	sadd.s32 $0x400, s11;
	[sflag:s8] =	ssyncadd.s32 $0xFFFFF000  }
0x10: {  	[hbm4b:s9+s3] =	stream.linear.scatter [tilespmem:s7], [sflag:$0x2], $0x1000, $0x38;
	[tilespmem:$0x1100] =	vst v63  }
0x11: {  	s12 =	sshrl.u32 s10, $0x1;
	_ =	swait.ge [sflag:s4], $0x1000  }
0x12: {  	s12 =	ssub.s32 s10, s12;
	[sflag:s4] =	ssyncset.done $0x0  }
0x13: {  	s31 =	smax.u32 s12, $0x1;
	[sflag:s4] =	ssyncadd.s32 $0xFFFFF000  }
0x14: {  	[tilespmem:s7], [sflag:$0x1] =	stream.indirect.gather [hbm4b:s2+s6], $0x20, s6, s6, $0xb8;
	[tilespmem:$0x1100] =	vst v63  }
0x15: {  	p0 =	sne.s32 s31, $0x1;
	_ =	swait.ge [sflag:s8], $0x1000  }
.Ltmp0:
0x16: {  	[sflag:s8] =	ssyncset.done $0x0;
	(pc) =	sbr.rel @!p0 .LBB2_2-.Ltmp0, $4  }
0x17: {  	s10 =	sadd.s32 $0x600, s11;
	[sflag:s8] =	ssyncadd.s32 $0xFFFFF000  }
0x18: {  	[hbm4b:s10+s3] =	stream.linear.scatter [tilespmem:s7], [sflag:$0x2], $0x1000, $0x38;
	[tilespmem:$0x1100] =	vst v63  }
0x19: {  	_ =	swait.ge [sflag:s4], $0x1000  }
0x1a: {  	s11 =	sadd.s32 $0xFFFFFFFF, s31;
	[sflag:s4] =	ssyncset.done $0x0  }
.LBB2_1:
0x1b: {  	p0 =	sne.s32 s11, $0x1;
	s11 =	sadd.s32 $0xFFFFFFFF, s11;
	[sflag:s4] =	ssyncadd.s32 $0xFFFFF000  }
0x1c: {  	[tilespmem:s3], [sflag:$0x2] =	stream.linear.gather [hbm4b:s5+s3], $0x100, $0x38;
	[tilespmem:$0x1100] =	vst v63  }
0x1d: {  	_ =	swait.ge [sflag:s4], $0x100  }
0x1e: {  	[sflag:s4] =	ssyncset.done $0x0  }
0x1f: {  	[sflag:s4] =	ssyncadd.s32 $0xFFFFFF00  }
0x20: {  	[tilespmem:s7], [sflag:$0x1] =	stream.indirect.gather [hbm4b:s2+s6], $0x20, s3, s6, $0xb8;
	[tilespmem:$0x1100] =	vst v63  }
0x21: {  	_ =	swait.ge [sflag:s8], $0x1000  }
0x22: {  	[sflag:s8] =	ssyncset.done $0x0  }
0x23: {  	[sflag:s8] =	ssyncadd.s32 $0xFFFFF000  }
0x24: {  	[hbm4b:s9+s3] =	stream.linear.scatter [tilespmem:s7], [sflag:$0x2], $0x1000, $0x38;
	[tilespmem:$0x1100] =	vst v63  }
0x25: {  	_ =	swait.ge [sflag:s4], $0x1000  }
0x26: {  	[sflag:s4] =	ssyncset.done $0x0  }
0x27: {  	[sflag:s4] =	ssyncadd.s32 $0xFFFFF000  }
0x28: {  	[tilespmem:s7], [sflag:$0x1] =	stream.indirect.gather [hbm4b:s2+s6], $0x20, s6, s6, $0xb8;
	[tilespmem:$0x1100] =	vst v63  }
0x29: {  	_ =	swait.ge [sflag:s8], $0x1000  }
.Ltmp1:
0x2a: {  	[sflag:s8] =	ssyncset.done $0x0;
	(pc) =	sbr.rel @p0 .LBB2_1-.Ltmp1, $4  }
0x2b: {  	[sflag:s8] =	ssyncadd.s32 $0xFFFFF000  }
0x2c: {  	[hbm4b:s10+s3] =	stream.linear.scatter [tilespmem:s7], [sflag:$0x2], $0x1000, $0x38;
	[tilespmem:$0x1100] =	vst v63  }
0x2d: {  	_ =	swait.ge [sflag:s4], $0x1000  }
0x2e: {  	[sflag:s4] =	ssyncset.done $0x0  }
.LBB2_2:
0x2f: {  	[sflag:s4] =	ssyncadd.s32 $0xFFFFF000  }
0x30: {  	_ =	sfence.sel $0x180000  }
0x31: {  	[bflag:$0x0] =	sbarrier.arrive $0xFFFF  }
0x32: {  	p0 =	sne.s32 s0, $0x0;
	_ =	strace $0x90000047  }
0x33: {  	s0 =	sadd.s32 @!p0 $0x100000, s1;
	[bflag:$0x2] =	sbarrier.arrive $0xFFFF  }
0x34: {  	[sflag:s0] =	ssyncadd.tile.s32 @!p0 $0x1;
	_ =	shalt  }
.Lfunc_end2:
_tile_overlayer_lowered:
.L_overlay_start_2:
0x35: {  	(tag) =	ssettag $0x2  }
0x36: {  	s0 =	rddreg [dreg:$0x0];
	s2 =	stileid.u32  }
0x37: {  	s1 =	rddreg [dreg:$0x1];
	p0 =	sne.s32 s2, $0x0  }
0x38: {  	s3 =	rddreg [dreg:$0x2];
	[bflag:$0x3] =	sbarrier.arrive $0xFFFF;
	s2 =	simm.s32 @!p0 $0x1C02  }
0x39: {  	[timem:s3], [sflag:s2] =	dma.local @!p0 [hbm:s0], s1  }
0x3a: {  	s0 =	simm.s32 @!p0 $0x2  }
0x3b: {  	_ =	swait.ge @!p0 [sflag:s0], s1  }
0x3c: {  	s1 =	ssub.s32 @!p0 $0x0, s1;
	[sflag:s0] =	ssyncset.done @!p0 $0x0  }
0x3d: {  	[sflag:s0] =	ssyncadd.s32 @!p0 s1  }
0x3e: {  	[bflag:$0x3] =	sbarrier.arrive $0xFFFF  }
0x3f: {  	_ =	shalt  }

</sc_bundles>
